<compile_context>
chip_gen: v7x
topology: tpu7x:2x2x1
jax: 0.10.2.dev20260603
libtpu: 0.0.44.dev20260713+nightly
codegen_flags: <defaults>
</compile_context>

<pallas_src>
import functools

import jax
import jax.numpy as jnp
from jax import lax
from jax.experimental import pallas as pl
from jax.experimental.pallas import tpu as pltpu
from jax.experimental.pallas import tpu_sc as plsc

_NBUF = 4


@functools.lru_cache(maxsize=None)
def _build(N, V, D, NC, NS):
    NW = NC * NS
    per_w = N // NW
    C = 200
    iters = per_w // C
    assert iters % _NBUF == 0 and iters >= 2 * _NBUF

    mesh = plsc.VectorSubcoreMesh(core_axis_name="c", subcore_axis_name="s")

    scratch = (
        [pltpu.VMEM((C,), jnp.int32) for _ in range(_NBUF)]
        + [pltpu.VMEM((C, D), jnp.float32) for _ in range(_NBUF)]
        + [pltpu.SemaphoreType.DMA for _ in range(2 * _NBUF)]
    )

    @functools.partial(
        pl.kernel,
        mesh=mesh,
        out_type=jax.ShapeDtypeStruct((N, D), jnp.float32),
        scratch_types=scratch,
    )
    def gather_kernel(ids_hbm, table_hbm, out_hbm, *bufs):
        idx = bufs[0:_NBUF]
        rows = bufs[_NBUF:2 * _NBUF]
        sg = bufs[2 * _NBUF:3 * _NBUF]
        ss = bufs[3 * _NBUF:4 * _NBUF]

        wid = lax.axis_index("s") * NC + lax.axis_index("c")
        base = wid * per_w

        def start_gather(b, off):
            pltpu.sync_copy(ids_hbm.at[pl.ds(off, C)], idx[b])
            pltpu.async_copy(table_hbm.at[idx[b]], rows[b], sg[b])

        def wait_gather(b):
            pltpu.make_async_copy(table_hbm.at[idx[b]], rows[b], sg[b]).wait()

        def start_store(b, off):
            pltpu.async_copy(rows[b], out_hbm.at[pl.ds(off, C)], ss[b])

        def wait_store(b, off):
            pltpu.make_async_copy(
                rows[b], out_hbm.at[pl.ds(off, C)], ss[b]).wait()

        for b in range(_NBUF):
            start_gather(b, base + b * C)
        for b in range(2):
            wait_gather(b)
            start_store(b, base + b * C)

        def body(g, carry):
            first = base + (g + 1) * (_NBUF * C)
            for b in range(_NBUF):
                off = first + b * C
                wait_store(b, off - _NBUF * C)
                start_gather(b, off)
                jb = (b + 2) % _NBUF
                joff = off - 2 * C
                wait_gather(jb)
                start_store(jb, joff)
            return carry

        lax.fori_loop(0, iters // _NBUF - 1, body, 0)

        for i in (iters - 2, iters - 1):
            b = i % _NBUF
            wait_gather(b)
            start_store(b, base + i * C)
        for i in range(iters - _NBUF, iters):
            b = i % _NBUF
            wait_store(b, base + i * C)

    return gather_kernel


def kernel(input_ids, embedding_matrix):
    B, S = input_ids.shape
    V, D = embedding_matrix.shape
    N = B * S
    info = plsc.get_sparse_core_info()
    fn = _build(N, V, D, info.num_cores, info.num_subcores)
    out = fn(input_ids.reshape(N), embedding_matrix)
    return out.reshape(B, S, D)

# --- scband reference (transcript-rebuilt; emitter-appended) ---
"""Pipeline reference for scband-fine-tuned-word2-vec-embedder-44555990729371 (READ-ONLY COPY).

The authoritative reference and input builder live on the scoring server;
editing this copy changes nothing except your own understanding.
"""

import jax, jax.numpy as jnp
import numpy as np

VOCAB_SIZE = 50000
EMBED_DIM = 128
BATCH = 4096
SEQ_LEN = 200


def setup_inputs(seed: int = 0) -> dict:
    key = jax.random.key(seed)
    k1, k2 = jax.random.split(key)
    # token ids produced by the tokenizer, capped at max_vocab_size
    input_ids = jax.random.randint(k1, (BATCH, SEQ_LEN), 0, VOCAB_SIZE, dtype=jnp.int64 if jax.config.jax_enable_x64 else jnp.int32).astype(jnp.int32)
    # the fine-tuned word2vec embedding matrix (OOV rows are zeros in the
    # original module; here we just materialize a dense float32 table)
    embedding_matrix = jax.random.normal(k2, (VOCAB_SIZE, EMBED_DIM), dtype=jnp.float32) * 0.02
    return {"input_ids": input_ids, "embedding_matrix": embedding_matrix}


def reference(input_ids, embedding_matrix):
    # forward of FineTunedWord2VecEmbedder: a plain embedding lookup into
    # the (frozen / fine-tuned) word2vec-derived matrix.
    # gather -> jnp.take maps to a SparseCore-friendly gather.
    return jnp.take(embedding_matrix, input_ids, axis=0)

if __name__ == "__main__":
    import jax
    _d = setup_inputs()
    print(jax.jit(kernel)(*tuple(_d.values())))

</pallas_src>

<mosaic_0001>
#map = affine_map<(d0, d1) -> (0)>
#map1 = affine_map<(d0, d1) -> (0, 0)>
module attributes {stable_mosaic.version = 14 : i64} {
  func.func @gather_kernel(%arg0: i32, %arg1: i32, %arg2: memref<819200xi32, #tpu.memory_space<hbm>>, %arg3: memref<50000x128xf32, #tpu.memory_space<hbm>>, %arg4: memref<819200x128xf32, #tpu.memory_space<hbm>>, %arg5: memref<200xi32, #tpu.memory_space<vmem>>, %arg6: memref<200xi32, #tpu.memory_space<vmem>>, %arg7: memref<200xi32, #tpu.memory_space<vmem>>, %arg8: memref<200xi32, #tpu.memory_space<vmem>>, %arg9: memref<200x128xf32, #tpu.memory_space<vmem>>, %arg10: memref<200x128xf32, #tpu.memory_space<vmem>>, %arg11: memref<200x128xf32, #tpu.memory_space<vmem>>, %arg12: memref<200x128xf32, #tpu.memory_space<vmem>>, %arg13: memref<!tpu.dma_semaphore, #tpu.memory_space<semaphore_mem>>, %arg14: memref<!tpu.dma_semaphore, #tpu.memory_space<semaphore_mem>>, %arg15: memref<!tpu.dma_semaphore, #tpu.memory_space<semaphore_mem>>, %arg16: memref<!tpu.dma_semaphore, #tpu.memory_space<semaphore_mem>>, %arg17: memref<!tpu.dma_semaphore, #tpu.memory_space<semaphore_mem>>, %arg18: memref<!tpu.dma_semaphore, #tpu.memory_space<semaphore_mem>>, %arg19: memref<!tpu.dma_semaphore, #tpu.memory_space<semaphore_mem>>, %arg20: memref<!tpu.dma_semaphore, #tpu.memory_space<semaphore_mem>>) attributes {dimension_semantics = [#tpu.dimension_semantics<core_parallel>, #tpu.dimension_semantics<subcore_parallel>], iteration_bounds = array<i64: 2, 16>, scalar_prefetch = 0 : i64, scratch_operands = 16 : i64, tpu.core_type = #tpu.core_type<sc_vector_subcore>, window_params = [{transform_indices = #map}, {transform_indices = #map1}, {transform_indices = #map1}]} {
    %mul3A = arith.constant 2 : i32
    %mul3A_0 = arith.muli %arg1, %mul3A : i32
    %add3A = arith.addi %mul3A_0, %arg0 : i32
    %mul3A_1 = arith.constant 25600 : i32
    %mul3A_2 = arith.muli %add3A, %mul3A_1 : i32
    %add3A_3 = arith.constant 0 : i32
    %add3A_4 = arith.addi %mul3A_2, %add3A_3 : i32
    "tpu.region"() ({
      %run_scoped3A = tpu.sem_alloc : memref<!tpu.dma_semaphore, #tpu.memory_space<semaphore_mem>>
      %dma_start3A_86 = tpu.memref_slice %arg2[%add3A_4] : memref<819200xi32, #tpu.memory_space<hbm>> -> memref<200xi32, #tpu.memory_space<hbm>>
      %dma_start3A_87 = tpu.memref_slice %arg2[%add3A_4] : memref<819200xi32, #tpu.memory_space<hbm>> -> memref<200xi32, #tpu.memory_space<hbm>>
      tpu.enqueue_dma source(%dma_start3A_87 : memref<200xi32, #tpu.memory_space<hbm>>) target(%arg5 : memref<200xi32, #tpu.memory_space<vmem>>) target_semaphore(%run_scoped3A : memref<!tpu.dma_semaphore, #tpu.memory_space<semaphore_mem>>)
      %dma_wait3A_88 = tpu.memref_slice %arg2[%add3A_4] : memref<819200xi32, #tpu.memory_space<hbm>> -> memref<200xi32, #tpu.memory_space<hbm>>
      %dma_wait3A_89 = tpu.memref_slice %arg2[%add3A_4] : memref<819200xi32, #tpu.memory_space<hbm>> -> memref<200xi32, #tpu.memory_space<hbm>>
      tpu.wait_dma2 semaphore(%run_scoped3A : memref<!tpu.dma_semaphore, #tpu.memory_space<semaphore_mem>>) src(%dma_wait3A_89 : memref<200xi32, #tpu.memory_space<hbm>>) dst(%arg5 : memref<200xi32, #tpu.memory_space<vmem>>)
      tpu.yield
    }) : () -> ()
    %dma_start3A = arith.constant 0 : i32
    %dma_start3A_5 = arith.constant 0 : i32
    %dma_start3A_6 = tpu.memref_slice %arg3[%dma_start3A, %dma_start3A_5] : memref<50000x128xf32, #tpu.memory_space<hbm>> -> memref<50000x128xf32, #tpu.memory_space<hbm>>
    tpu.enqueue_indirect_dma source(%dma_start3A_6 : memref<50000x128xf32, #tpu.memory_space<hbm>>) target(%arg9 : memref<200x128xf32, #tpu.memory_space<vmem>>) offsets(%arg5 : memref<200xi32, #tpu.memory_space<vmem>>) semaphore(%arg13 : memref<!tpu.dma_semaphore, #tpu.memory_space<semaphore_mem>>)
    %add3A_7 = arith.constant 200 : i32
    %add3A_8 = arith.addi %mul3A_2, %add3A_7 : i32
    "tpu.region"() ({
      %run_scoped3A = tpu.sem_alloc : memref<!tpu.dma_semaphore, #tpu.memory_space<semaphore_mem>>
      %dma_start3A_86 = tpu.memref_slice %arg2[%add3A_8] : memref<819200xi32, #tpu.memory_space<hbm>> -> memref<200xi32, #tpu.memory_space<hbm>>
      %dma_start3A_87 = tpu.memref_slice %arg2[%add3A_8] : memref<819200xi32, #tpu.memory_space<hbm>> -> memref<200xi32, #tpu.memory_space<hbm>>
      tpu.enqueue_dma source(%dma_start3A_87 : memref<200xi32, #tpu.memory_space<hbm>>) target(%arg6 : memref<200xi32, #tpu.memory_space<vmem>>) target_semaphore(%run_scoped3A : memref<!tpu.dma_semaphore, #tpu.memory_space<semaphore_mem>>)
      %dma_wait3A_88 = tpu.memref_slice %arg2[%add3A_8] : memref<819200xi32, #tpu.memory_space<hbm>> -> memref<200xi32, #tpu.memory_space<hbm>>
      %dma_wait3A_89 = tpu.memref_slice %arg2[%add3A_8] : memref<819200xi32, #tpu.memory_space<hbm>> -> memref<200xi32, #tpu.memory_space<hbm>>
      tpu.wait_dma2 semaphore(%run_scoped3A : memref<!tpu.dma_semaphore, #tpu.memory_space<semaphore_mem>>) src(%dma_wait3A_89 : memref<200xi32, #tpu.memory_space<hbm>>) dst(%arg6 : memref<200xi32, #tpu.memory_space<vmem>>)
      tpu.yield
    }) : () -> ()
    %dma_start3A_9 = arith.constant 0 : i32
    %dma_start3A_10 = arith.constant 0 : i32
    %dma_start3A_11 = tpu.memref_slice %arg3[%dma_start3A_9, %dma_start3A_10] : memref<50000x128xf32, #tpu.memory_space<hbm>> -> memref<50000x128xf32, #tpu.memory_space<hbm>>
    tpu.enqueue_indirect_dma source(%dma_start3A_11 : memref<50000x128xf32, #tpu.memory_space<hbm>>) target(%arg10 : memref<200x128xf32, #tpu.memory_space<vmem>>) offsets(%arg6 : memref<200xi32, #tpu.memory_space<vmem>>) semaphore(%arg14 : memref<!tpu.dma_semaphore, #tpu.memory_space<semaphore_mem>>)
    %add3A_12 = arith.constant 400 : i32
    %add3A_13 = arith.addi %mul3A_2, %add3A_12 : i32
    "tpu.region"() ({
      %run_scoped3A = tpu.sem_alloc : memref<!tpu.dma_semaphore, #tpu.memory_space<semaphore_mem>>
      %dma_start3A_86 = tpu.memref_slice %arg2[%add3A_13] : memref<819200xi32, #tpu.memory_space<hbm>> -> memref<200xi32, #tpu.memory_space<hbm>>
      %dma_start3A_87 = tpu.memref_slice %arg2[%add3A_13] : memref<819200xi32, #tpu.memory_space<hbm>> -> memref<200xi32, #tpu.memory_space<hbm>>
      tpu.enqueue_dma source(%dma_start3A_87 : memref<200xi32, #tpu.memory_space<hbm>>) target(%arg7 : memref<200xi32, #tpu.memory_space<vmem>>) target_semaphore(%run_scoped3A : memref<!tpu.dma_semaphore, #tpu.memory_space<semaphore_mem>>)
      %dma_wait3A_88 = tpu.memref_slice %arg2[%add3A_13] : memref<819200xi32, #tpu.memory_space<hbm>> -> memref<200xi32, #tpu.memory_space<hbm>>
      %dma_wait3A_89 = tpu.memref_slice %arg2[%add3A_13] : memref<819200xi32, #tpu.memory_space<hbm>> -> memref<200xi32, #tpu.memory_space<hbm>>
      tpu.wait_dma2 semaphore(%run_scoped3A : memref<!tpu.dma_semaphore, #tpu.memory_space<semaphore_mem>>) src(%dma_wait3A_89 : memref<200xi32, #tpu.memory_space<hbm>>) dst(%arg7 : memref<200xi32, #tpu.memory_space<vmem>>)
      tpu.yield
    }) : () -> ()
    %dma_start3A_14 = arith.constant 0 : i32
    %dma_start3A_15 = arith.constant 0 : i32
    %dma_start3A_16 = tpu.memref_slice %arg3[%dma_start3A_14, %dma_start3A_15] : memref<50000x128xf32, #tpu.memory_space<hbm>> -> memref<50000x128xf32, #tpu.memory_space<hbm>>
    tpu.enqueue_indirect_dma source(%dma_start3A_16 : memref<50000x128xf32, #tpu.memory_space<hbm>>) target(%arg11 : memref<200x128xf32, #tpu.memory_space<vmem>>) offsets(%arg7 : memref<200xi32, #tpu.memory_space<vmem>>) semaphore(%arg15 : memref<!tpu.dma_semaphore, #tpu.memory_space<semaphore_mem>>)
    %add3A_17 = arith.constant 600 : i32
    %add3A_18 = arith.addi %mul3A_2, %add3A_17 : i32
    "tpu.region"() ({
      %run_scoped3A = tpu.sem_alloc : memref<!tpu.dma_semaphore, #tpu.memory_space<semaphore_mem>>
      %dma_start3A_86 = tpu.memref_slice %arg2[%add3A_18] : memref<819200xi32, #tpu.memory_space<hbm>> -> memref<200xi32, #tpu.memory_space<hbm>>
      %dma_start3A_87 = tpu.memref_slice %arg2[%add3A_18] : memref<819200xi32, #tpu.memory_space<hbm>> -> memref<200xi32, #tpu.memory_space<hbm>>
      tpu.enqueue_dma source(%dma_start3A_87 : memref<200xi32, #tpu.memory_space<hbm>>) target(%arg8 : memref<200xi32, #tpu.memory_space<vmem>>) target_semaphore(%run_scoped3A : memref<!tpu.dma_semaphore, #tpu.memory_space<semaphore_mem>>)
      %dma_wait3A_88 = tpu.memref_slice %arg2[%add3A_18] : memref<819200xi32, #tpu.memory_space<hbm>> -> memref<200xi32, #tpu.memory_space<hbm>>
      %dma_wait3A_89 = tpu.memref_slice %arg2[%add3A_18] : memref<819200xi32, #tpu.memory_space<hbm>> -> memref<200xi32, #tpu.memory_space<hbm>>
      tpu.wait_dma2 semaphore(%run_scoped3A : memref<!tpu.dma_semaphore, #tpu.memory_space<semaphore_mem>>) src(%dma_wait3A_89 : memref<200xi32, #tpu.memory_space<hbm>>) dst(%arg8 : memref<200xi32, #tpu.memory_space<vmem>>)
      tpu.yield
    }) : () -> ()
    %dma_start3A_19 = arith.constant 0 : i32
    %dma_start3A_20 = arith.constant 0 : i32
    %dma_start3A_21 = tpu.memref_slice %arg3[%dma_start3A_19, %dma_start3A_20] : memref<50000x128xf32, #tpu.memory_space<hbm>> -> memref<50000x128xf32, #tpu.memory_space<hbm>>
    tpu.enqueue_indirect_dma source(%dma_start3A_21 : memref<50000x128xf32, #tpu.memory_space<hbm>>) target(%arg12 : memref<200x128xf32, #tpu.memory_space<vmem>>) offsets(%arg8 : memref<200xi32, #tpu.memory_space<vmem>>) semaphore(%arg16 : memref<!tpu.dma_semaphore, #tpu.memory_space<semaphore_mem>>)
    %dma_wait3A = arith.constant 0 : i32
    %dma_wait3A_22 = arith.constant 0 : i32
    %dma_wait3A_23 = tpu.memref_slice %arg3[%dma_wait3A, %dma_wait3A_22] : memref<50000x128xf32, #tpu.memory_space<hbm>> -> memref<50000x128xf32, #tpu.memory_space<hbm>>
    tpu.wait_indirect_dma semaphore(%arg13 : memref<!tpu.dma_semaphore, #tpu.memory_space<semaphore_mem>>) src(%dma_wait3A_23 : memref<50000x128xf32, #tpu.memory_space<hbm>>) dst(%arg9 : memref<200x128xf32, #tpu.memory_space<vmem>>)
    %add3A_24 = arith.constant 0 : i32
    %add3A_25 = arith.addi %mul3A_2, %add3A_24 : i32
    %dma_start3A_26 = arith.constant 0 : i32
    %dma_start3A_27 = tpu.memref_slice %arg4[%add3A_25, %dma_start3A_26] : memref<819200x128xf32, #tpu.memory_space<hbm>> -> memref<200x128xf32, #tpu.memory_space<hbm>>
    %dma_start3A_28 = arith.constant 0 : i32
    %dma_start3A_29 = tpu.memref_slice %arg4[%add3A_25, %dma_start3A_28] : memref<819200x128xf32, #tpu.memory_space<hbm>> -> memref<200x128xf32, #tpu.memory_space<hbm>>
    tpu.enqueue_dma source(%arg9 : memref<200x128xf32, #tpu.memory_space<vmem>>) target(%dma_start3A_29 : memref<200x128xf32, #tpu.memory_space<hbm>>) target_semaphore(%arg17 : memref<!tpu.dma_semaphore, #tpu.memory_space<semaphore_mem>>)
    %dma_wait3A_30 = arith.constant 0 : i32
    %dma_wait3A_31 = arith.constant 0 : i32
    %dma_wait3A_32 = tpu.memref_slice %arg3[%dma_wait3A_30, %dma_wait3A_31] : memref<50000x128xf32, #tpu.memory_space<hbm>> -> memref<50000x128xf32, #tpu.memory_space<hbm>>
    tpu.wait_indirect_dma semaphore(%arg14 : memref<!tpu.dma_semaphore, #tpu.memory_space<semaphore_mem>>) src(%dma_wait3A_32 : memref<50000x128xf32, #tpu.memory_space<hbm>>) dst(%arg10 : memref<200x128xf32, #tpu.memory_space<vmem>>)
    %add3A_33 = arith.constant 200 : i32
    %add3A_34 = arith.addi %mul3A_2, %add3A_33 : i32
    %dma_start3A_35 = arith.constant 0 : i32
    %dma_start3A_36 = tpu.memref_slice %arg4[%add3A_34, %dma_start3A_35] : memref<819200x128xf32, #tpu.memory_space<hbm>> -> memref<200x128xf32, #tpu.memory_space<hbm>>
    %dma_start3A_37 = arith.constant 0 : i32
    %dma_start3A_38 = tpu.memref_slice %arg4[%add3A_34, %dma_start3A_37] : memref<819200x128xf32, #tpu.memory_space<hbm>> -> memref<200x128xf32, #tpu.memory_space<hbm>>
    tpu.enqueue_dma source(%arg10 : memref<200x128xf32, #tpu.memory_space<vmem>>) target(%dma_start3A_38 : memref<200x128xf32, #tpu.memory_space<hbm>>) target_semaphore(%arg18 : memref<!tpu.dma_semaphore, #tpu.memory_space<semaphore_mem>>)
    %scan3A = arith.constant 0 : i32
    %scan3A_39 = arith.constant 0 : i32
    %scan3A_40 = arith.constant 31 : i32
    %scan3A_41 = arith.addi %scan3A_39, %scan3A_40 : i32
    %scan3A_42 = arith.constant 1 : i32
    scf.for %scan3A_86 = %scan3A_39 to %scan3A_41 step %scan3A_42  : i32 {
      %add3A_87 = arith.constant 1 : i32
      %add3A_88 = arith.addi %scan3A_86, %add3A_87 : i32
      %mul3A_89 = arith.constant 800 : i32
      %mul3A_90 = arith.muli %add3A_88, %mul3A_89 : i32
      %add3A_91 = arith.addi %mul3A_2, %mul3A_90 : i32
      %add3A_92 = arith.constant 0 : i32
      %add3A_93 = arith.addi %add3A_91, %add3A_92 : i32
      %sub3A = arith.constant 800 : i32
      %sub3A_94 = arith.subi %add3A_93, %sub3A : i32
      %dma_wait3A_95 = arith.constant 0 : i32
      %dma_wait3A_96 = tpu.memref_slice %arg4[%sub3A_94, %dma_wait3A_95] : memref<819200x128xf32, #tpu.memory_space<hbm>> -> memref<200x128xf32, #tpu.memory_space<hbm>>
      %dma_wait3A_97 = arith.constant 0 : i32
      %dma_wait3A_98 = tpu.memref_slice %arg4[%sub3A_94, %dma_wait3A_97] : memref<819200x128xf32, #tpu.memory_space<hbm>> -> memref<200x128xf32, #tpu.memory_space<hbm>>
      tpu.wait_dma2 semaphore(%arg17 : memref<!tpu.dma_semaphore, #tpu.memory_space<semaphore_mem>>) src(%arg9 : memref<200x128xf32, #tpu.memory_space<vmem>>) dst(%dma_wait3A_98 : memref<200x128xf32, #tpu.memory_space<hbm>>)
      "tpu.region"() ({
        %run_scoped3A = tpu.sem_alloc : memref<!tpu.dma_semaphore, #tpu.memory_space<semaphore_mem>>
        %dma_start3A_171 = tpu.memref_slice %arg2[%add3A_93] : memref<819200xi32, #tpu.memory_space<hbm>> -> memref<200xi32, #tpu.memory_space<hbm>>
        %dma_start3A_172 = tpu.memref_slice %arg2[%add3A_93] : memref<819200xi32, #tpu.memory_space<hbm>> -> memref<200xi32, #tpu.memory_space<hbm>>
        tpu.enqueue_dma source(%dma_start3A_172 : memref<200xi32, #tpu.memory_space<hbm>>) target(%arg5 : memref<200xi32, #tpu.memory_space<vmem>>) target_semaphore(%run_scoped3A : memref<!tpu.dma_semaphore, #tpu.memory_space<semaphore_mem>>)
        %dma_wait3A_173 = tpu.memref_slice %arg2[%add3A_93] : memref<819200xi32, #tpu.memory_space<hbm>> -> memref<200xi32, #tpu.memory_space<hbm>>
        %dma_wait3A_174 = tpu.memref_slice %arg2[%add3A_93] : memref<819200xi32, #tpu.memory_space<hbm>> -> memref<200xi32, #tpu.memory_space<hbm>>
        tpu.wait_dma2 semaphore(%run_scoped3A : memref<!tpu.dma_semaphore, #tpu.memory_space<semaphore_mem>>) src(%dma_wait3A_174 : memref<200xi32, #tpu.memory_space<hbm>>) dst(%arg5 : memref<200xi32, #tpu.memory_space<vmem>>)
        tpu.yield
      }) : () -> ()
      %dma_start3A_99 = arith.constant 0 : i32
      %dma_start3A_100 = arith.constant 0 : i32
      %dma_start3A_101 = tpu.memref_slice %arg3[%dma_start3A_99, %dma_start3A_100] : memref<50000x128xf32, #tpu.memory_space<hbm>> -> memref<50000x128xf32, #tpu.memory_space<hbm>>
      tpu.enqueue_indirect_dma source(%dma_start3A_101 : memref<50000x128xf32, #tpu.memory_space<hbm>>) target(%arg9 : memref<200x128xf32, #tpu.memory_space<vmem>>) offsets(%arg5 : memref<200xi32, #tpu.memory_space<vmem>>) semaphore(%arg13 : memref<!tpu.dma_semaphore, #tpu.memory_space<semaphore_mem>>)
      %sub3A_102 = arith.constant 400 : i32
      %sub3A_103 = arith.subi %add3A_93, %sub3A_102 : i32
      %dma_wait3A_104 = arith.constant 0 : i32
      %dma_wait3A_105 = arith.constant 0 : i32
      %dma_wait3A_106 = tpu.memref_slice %arg3[%dma_wait3A_104, %dma_wait3A_105] : memref<50000x128xf32, #tpu.memory_space<hbm>> -> memref<50000x128xf32, #tpu.memory_space<hbm>>
      tpu.wait_indirect_dma semaphore(%arg15 : memref<!tpu.dma_semaphore, #tpu.memory_space<semaphore_mem>>) src(%dma_wait3A_106 : memref<50000x128xf32, #tpu.memory_space<hbm>>) dst(%arg11 : memref<200x128xf32, #tpu.memory_space<vmem>>)
      %dma_start3A_107 = arith.constant 0 : i32
      %dma_start3A_108 = tpu.memref_slice %arg4[%sub3A_103, %dma_start3A_107] : memref<819200x128xf32, #tpu.memory_space<hbm>> -> memref<200x128xf32, #tpu.memory_space<hbm>>
      %dma_start3A_109 = arith.constant 0 : i32
      %dma_start3A_110 = tpu.memref_slice %arg4[%sub3A_103, %dma_start3A_109] : memref<819200x128xf32, #tpu.memory_space<hbm>> -> memref<200x128xf32, #tpu.memory_space<hbm>>
      tpu.enqueue_dma source(%arg11 : memref<200x128xf32, #tpu.memory_space<vmem>>) target(%dma_start3A_110 : memref<200x128xf32, #tpu.memory_space<hbm>>) target_semaphore(%arg19 : memref<!tpu.dma_semaphore, #tpu.memory_space<semaphore_mem>>)
      %add3A_111 = arith.constant 200 : i32
      %add3A_112 = arith.addi %add3A_91, %add3A_111 : i32
      %sub3A_113 = arith.constant 800 : i32
      %sub3A_114 = arith.subi %add3A_112, %sub3A_113 : i32
      %dma_wait3A_115 = arith.constant 0 : i32
      %dma_wait3A_116 = tpu.memref_slice %arg4[%sub3A_114, %dma_wait3A_115] : memref<819200x128xf32, #tpu.memory_space<hbm>> -> memref<200x128xf32, #tpu.memory_space<hbm>>
      %dma_wait3A_117 = arith.constant 0 : i32
      %dma_wait3A_118 = tpu.memref_slice %arg4[%sub3A_114, %dma_wait3A_117] : memref<819200x128xf32, #tpu.memory_space<hbm>> -> memref<200x128xf32, #tpu.memory_space<hbm>>
      tpu.wait_dma2 semaphore(%arg18 : memref<!tpu.dma_semaphore, #tpu.memory_space<semaphore_mem>>) src(%arg10 : memref<200x128xf32, #tpu.memory_space<vmem>>) dst(%dma_wait3A_118 : memref<200x128xf32, #tpu.memory_space<hbm>>)
      "tpu.region"() ({
        %run_scoped3A = tpu.sem_alloc : memref<!tpu.dma_semaphore, #tpu.memory_space<semaphore_mem>>
        %dma_start3A_171 = tpu.memref_slice %arg2[%add3A_112] : memref<819200xi32, #tpu.memory_space<hbm>> -> memref<200xi32, #tpu.memory_space<hbm>>
        %dma_start3A_172 = tpu.memref_slice %arg2[%add3A_112] : memref<819200xi32, #tpu.memory_space<hbm>> -> memref<200xi32, #tpu.memory_space<hbm>>
        tpu.enqueue_dma source(%dma_start3A_172 : memref<200xi32, #tpu.memory_space<hbm>>) target(%arg6 : memref<200xi32, #tpu.memory_space<vmem>>) target_semaphore(%run_scoped3A : memref<!tpu.dma_semaphore, #tpu.memory_space<semaphore_mem>>)
        %dma_wait3A_173 = tpu.memref_slice %arg2[%add3A_112] : memref<819200xi32, #tpu.memory_space<hbm>> -> memref<200xi32, #tpu.memory_space<hbm>>
        %dma_wait3A_174 = tpu.memref_slice %arg2[%add3A_112] : memref<819200xi32, #tpu.memory_space<hbm>> -> memref<200xi32, #tpu.memory_space<hbm>>
        tpu.wait_dma2 semaphore(%run_scoped3A : memref<!tpu.dma_semaphore, #tpu.memory_space<semaphore_mem>>) src(%dma_wait3A_174 : memref<200xi32, #tpu.memory_space<hbm>>) dst(%arg6 : memref<200xi32, #tpu.memory_space<vmem>>)
        tpu.yield
      }) : () -> ()
      %dma_start3A_119 = arith.constant 0 : i32
      %dma_start3A_120 = arith.constant 0 : i32
      %dma_start3A_121 = tpu.memref_slice %arg3[%dma_start3A_119, %dma_start3A_120] : memref<50000x128xf32, #tpu.memory_space<hbm>> -> memref<50000x128xf32, #tpu.memory_space<hbm>>
      tpu.enqueue_indirect_dma source(%dma_start3A_121 : memref<50000x128xf32, #tpu.memory_space<hbm>>) target(%arg10 : memref<200x128xf32, #tpu.memory_space<vmem>>) offsets(%arg6 : memref<200xi32, #tpu.memory_space<vmem>>) semaphore(%arg14 : memref<!tpu.dma_semaphore, #tpu.memory_space<semaphore_mem>>)
      %sub3A_122 = arith.constant 400 : i32
      %sub3A_123 = arith.subi %add3A_112, %sub3A_122 : i32
      %dma_wait3A_124 = arith.constant 0 : i32
      %dma_wait3A_125 = arith.constant 0 : i32
      %dma_wait3A_126 = tpu.memref_slice %arg3[%dma_wait3A_124, %dma_wait3A_125] : memref<50000x128xf32, #tpu.memory_space<hbm>> -> memref<50000x128xf32, #tpu.memory_space<hbm>>
      tpu.wait_indirect_dma semaphore(%arg16 : memref<!tpu.dma_semaphore, #tpu.memory_space<semaphore_mem>>) src(%dma_wait3A_126 : memref<50000x128xf32, #tpu.memory_space<hbm>>) dst(%arg12 : memref<200x128xf32, #tpu.memory_space<vmem>>)
      %dma_start3A_127 = arith.constant 0 : i32
      %dma_start3A_128 = tpu.memref_slice %arg4[%sub3A_123, %dma_start3A_127] : memref<819200x128xf32, #tpu.memory_space<hbm>> -> memref<200x128xf32, #tpu.memory_space<hbm>>
      %dma_start3A_129 = arith.constant 0 : i32
      %dma_start3A_130 = tpu.memref_slice %arg4[%sub3A_123, %dma_start3A_129] : memref<819200x128xf32, #tpu.memory_space<hbm>> -> memref<200x128xf32, #tpu.memory_space<hbm>>
      tpu.enqueue_dma source(%arg12 : memref<200x128xf32, #tpu.memory_space<vmem>>) target(%dma_start3A_130 : memref<200x128xf32, #tpu.memory_space<hbm>>) target_semaphore(%arg20 : memref<!tpu.dma_semaphore, #tpu.memory_space<semaphore_mem>>)
      %add3A_131 = arith.constant 400 : i32
      %add3A_132 = arith.addi %add3A_91, %add3A_131 : i32
      %sub3A_133 = arith.constant 800 : i32
      %sub3A_134 = arith.subi %add3A_132, %sub3A_133 : i32
      %dma_wait3A_135 = arith.constant 0 : i32
      %dma_wait3A_136 = tpu.memref_slice %arg4[%sub3A_134, %dma_wait3A_135] : memref<819200x128xf32, #tpu.memory_space<hbm>> -> memref<200x128xf32, #tpu.memory_space<hbm>>
      %dma_wait3A_137 = arith.constant 0 : i32
      %dma_wait3A_138 = tpu.memref_slice %arg4[%sub3A_134, %dma_wait3A_137] : memref<819200x128xf32, #tpu.memory_space<hbm>> -> memref<200x128xf32, #tpu.memory_space<hbm>>
      tpu.wait_dma2 semaphore(%arg19 : memref<!tpu.dma_semaphore, #tpu.memory_space<semaphore_mem>>) src(%arg11 : memref<200x128xf32, #tpu.memory_space<vmem>>) dst(%dma_wait3A_138 : memref<200x128xf32, #tpu.memory_space<hbm>>)
      "tpu.region"() ({
        %run_scoped3A = tpu.sem_alloc : memref<!tpu.dma_semaphore, #tpu.memory_space<semaphore_mem>>
        %dma_start3A_171 = tpu.memref_slice %arg2[%add3A_132] : memref<819200xi32, #tpu.memory_space<hbm>> -> memref<200xi32, #tpu.memory_space<hbm>>
        %dma_start3A_172 = tpu.memref_slice %arg2[%add3A_132] : memref<819200xi32, #tpu.memory_space<hbm>> -> memref<200xi32, #tpu.memory_space<hbm>>
        tpu.enqueue_dma source(%dma_start3A_172 : memref<200xi32, #tpu.memory_space<hbm>>) target(%arg7 : memref<200xi32, #tpu.memory_space<vmem>>) target_semaphore(%run_scoped3A : memref<!tpu.dma_semaphore, #tpu.memory_space<semaphore_mem>>)
        %dma_wait3A_173 = tpu.memref_slice %arg2[%add3A_132] : memref<819200xi32, #tpu.memory_space<hbm>> -> memref<200xi32, #tpu.memory_space<hbm>>
        %dma_wait3A_174 = tpu.memref_slice %arg2[%add3A_132] : memref<819200xi32, #tpu.memory_space<hbm>> -> memref<200xi32, #tpu.memory_space<hbm>>
        tpu.wait_dma2 semaphore(%run_scoped3A : memref<!tpu.dma_semaphore, #tpu.memory_space<semaphore_mem>>) src(%dma_wait3A_174 : memref<200xi32, #tpu.memory_space<hbm>>) dst(%arg7 : memref<200xi32, #tpu.memory_space<vmem>>)
        tpu.yield
      }) : () -> ()
      %dma_start3A_139 = arith.constant 0 : i32
      %dma_start3A_140 = arith.constant 0 : i32
      %dma_start3A_141 = tpu.memref_slice %arg3[%dma_start3A_139, %dma_start3A_140] : memref<50000x128xf32, #tpu.memory_space<hbm>> -> memref<50000x128xf32, #tpu.memory_space<hbm>>
      tpu.enqueue_indirect_dma source(%dma_start3A_141 : memref<50000x128xf32, #tpu.memory_space<hbm>>) target(%arg11 : memref<200x128xf32, #tpu.memory_space<vmem>>) offsets(%arg7 : memref<200xi32, #tpu.memory_space<vmem>>) semaphore(%arg15 : memref<!tpu.dma_semaphore, #tpu.memory_space<semaphore_mem>>)
      %sub3A_142 = arith.constant 400 : i32
      %sub3A_143 = arith.subi %add3A_132, %sub3A_142 : i32
      %dma_wait3A_144 = arith.constant 0 : i32
      %dma_wait3A_145 = arith.constant 0 : i32
      %dma_wait3A_146 = tpu.memref_slice %arg3[%dma_wait3A_144, %dma_wait3A_145] : memref<50000x128xf32, #tpu.memory_space<hbm>> -> memref<50000x128xf32, #tpu.memory_space<hbm>>
      tpu.wait_indirect_dma semaphore(%arg13 : memref<!tpu.dma_semaphore, #tpu.memory_space<semaphore_mem>>) src(%dma_wait3A_146 : memref<50000x128xf32, #tpu.memory_space<hbm>>) dst(%arg9 : memref<200x128xf32, #tpu.memory_space<vmem>>)
      %dma_start3A_147 = arith.constant 0 : i32
      %dma_start3A_148 = tpu.memref_slice %arg4[%sub3A_143, %dma_start3A_147] : memref<819200x128xf32, #tpu.memory_space<hbm>> -> memref<200x128xf32, #tpu.memory_space<hbm>>
      %dma_start3A_149 = arith.constant 0 : i32
      %dma_start3A_150 = tpu.memref_slice %arg4[%sub3A_143, %dma_start3A_149] : memref<819200x128xf32, #tpu.memory_space<hbm>> -> memref<200x128xf32, #tpu.memory_space<hbm>>
      tpu.enqueue_dma source(%arg9 : memref<200x128xf32, #tpu.memory_space<vmem>>) target(%dma_start3A_150 : memref<200x128xf32, #tpu.memory_space<hbm>>) target_semaphore(%arg17 : memref<!tpu.dma_semaphore, #tpu.memory_space<semaphore_mem>>)
      %add3A_151 = arith.constant 600 : i32
      %add3A_152 = arith.addi %add3A_91, %add3A_151 : i32
      %sub3A_153 = arith.constant 800 : i32
      %sub3A_154 = arith.subi %add3A_152, %sub3A_153 : i32
      %dma_wait3A_155 = arith.constant 0 : i32
      %dma_wait3A_156 = tpu.memref_slice %arg4[%sub3A_154, %dma_wait3A_155] : memref<819200x128xf32, #tpu.memory_space<hbm>> -> memref<200x128xf32, #tpu.memory_space<hbm>>
      %dma_wait3A_157 = arith.constant 0 : i32
      %dma_wait3A_158 = tpu.memref_slice %arg4[%sub3A_154, %dma_wait3A_157] : memref<819200x128xf32, #tpu.memory_space<hbm>> -> memref<200x128xf32, #tpu.memory_space<hbm>>
      tpu.wait_dma2 semaphore(%arg20 : memref<!tpu.dma_semaphore, #tpu.memory_space<semaphore_mem>>) src(%arg12 : memref<200x128xf32, #tpu.memory_space<vmem>>) dst(%dma_wait3A_158 : memref<200x128xf32, #tpu.memory_space<hbm>>)
      "tpu.region"() ({
        %run_scoped3A = tpu.sem_alloc : memref<!tpu.dma_semaphore, #tpu.memory_space<semaphore_mem>>
        %dma_start3A_171 = tpu.memref_slice %arg2[%add3A_152] : memref<819200xi32, #tpu.memory_space<hbm>> -> memref<200xi32, #tpu.memory_space<hbm>>
        %dma_start3A_172 = tpu.memref_slice %arg2[%add3A_152] : memref<819200xi32, #tpu.memory_space<hbm>> -> memref<200xi32, #tpu.memory_space<hbm>>
        tpu.enqueue_dma source(%dma_start3A_172 : memref<200xi32, #tpu.memory_space<hbm>>) target(%arg8 : memref<200xi32, #tpu.memory_space<vmem>>) target_semaphore(%run_scoped3A : memref<!tpu.dma_semaphore, #tpu.memory_space<semaphore_mem>>)
        %dma_wait3A_173 = tpu.memref_slice %arg2[%add3A_152] : memref<819200xi32, #tpu.memory_space<hbm>> -> memref<200xi32, #tpu.memory_space<hbm>>
        %dma_wait3A_174 = tpu.memref_slice %arg2[%add3A_152] : memref<819200xi32, #tpu.memory_space<hbm>> -> memref<200xi32, #tpu.memory_space<hbm>>
        tpu.wait_dma2 semaphore(%run_scoped3A : memref<!tpu.dma_semaphore, #tpu.memory_space<semaphore_mem>>) src(%dma_wait3A_174 : memref<200xi32, #tpu.memory_space<hbm>>) dst(%arg8 : memref<200xi32, #tpu.memory_space<vmem>>)
        tpu.yield
      }) : () -> ()
      %dma_start3A_159 = arith.constant 0 : i32
      %dma_start3A_160 = arith.constant 0 : i32
      %dma_start3A_161 = tpu.memref_slice %arg3[%dma_start3A_159, %dma_start3A_160] : memref<50000x128xf32, #tpu.memory_space<hbm>> -> memref<50000x128xf32, #tpu.memory_space<hbm>>
      tpu.enqueue_indirect_dma source(%dma_start3A_161 : memref<50000x128xf32, #tpu.memory_space<hbm>>) target(%arg12 : memref<200x128xf32, #tpu.memory_space<vmem>>) offsets(%arg8 : memref<200xi32, #tpu.memory_space<vmem>>) semaphore(%arg16 : memref<!tpu.dma_semaphore, #tpu.memory_space<semaphore_mem>>)
      %sub3A_162 = arith.constant 400 : i32
      %sub3A_163 = arith.subi %add3A_152, %sub3A_162 : i32
      %dma_wait3A_164 = arith.constant 0 : i32
      %dma_wait3A_165 = arith.constant 0 : i32
      %dma_wait3A_166 = tpu.memref_slice %arg3[%dma_wait3A_164, %dma_wait3A_165] : memref<50000x128xf32, #tpu.memory_space<hbm>> -> memref<50000x128xf32, #tpu.memory_space<hbm>>
      tpu.wait_indirect_dma semaphore(%arg14 : memref<!tpu.dma_semaphore, #tpu.memory_space<semaphore_mem>>) src(%dma_wait3A_166 : memref<50000x128xf32, #tpu.memory_space<hbm>>) dst(%arg10 : memref<200x128xf32, #tpu.memory_space<vmem>>)
      %dma_start3A_167 = arith.constant 0 : i32
      %dma_start3A_168 = tpu.memref_slice %arg4[%sub3A_163, %dma_start3A_167] : memref<819200x128xf32, #tpu.memory_space<hbm>> -> memref<200x128xf32, #tpu.memory_space<hbm>>
      %dma_start3A_169 = arith.constant 0 : i32
      %dma_start3A_170 = tpu.memref_slice %arg4[%sub3A_163, %dma_start3A_169] : memref<819200x128xf32, #tpu.memory_space<hbm>> -> memref<200x128xf32, #tpu.memory_space<hbm>>
      tpu.enqueue_dma source(%arg10 : memref<200x128xf32, #tpu.memory_space<vmem>>) target(%dma_start3A_170 : memref<200x128xf32, #tpu.memory_space<hbm>>) target_semaphore(%arg18 : memref<!tpu.dma_semaphore, #tpu.memory_space<semaphore_mem>>)
    }
    %scan3A_43 = arith.constant 31 : i32
    %dma_wait3A_44 = arith.constant 0 : i32
    %dma_wait3A_45 = arith.constant 0 : i32
    %dma_wait3A_46 = tpu.memref_slice %arg3[%dma_wait3A_44, %dma_wait3A_45] : memref<50000x128xf32, #tpu.memory_space<hbm>> -> memref<50000x128xf32, #tpu.memory_space<hbm>>
    tpu.wait_indirect_dma semaphore(%arg15 : memref<!tpu.dma_semaphore, #tpu.memory_space<semaphore_mem>>) src(%dma_wait3A_46 : memref<50000x128xf32, #tpu.memory_space<hbm>>) dst(%arg11 : memref<200x128xf32, #tpu.memory_space<vmem>>)
    %add3A_47 = arith.constant 25200 : i32
    %add3A_48 = arith.addi %mul3A_2, %add3A_47 : i32
    %dma_start3A_49 = arith.constant 0 : i32
    %dma_start3A_50 = tpu.memref_slice %arg4[%add3A_48, %dma_start3A_49] : memref<819200x128xf32, #tpu.memory_space<hbm>> -> memref<200x128xf32, #tpu.memory_space<hbm>>
    %dma_start3A_51 = arith.constant 0 : i32
    %dma_start3A_52 = tpu.memref_slice %arg4[%add3A_48, %dma_start3A_51] : memref<819200x128xf32, #tpu.memory_space<hbm>> -> memref<200x128xf32, #tpu.memory_space<hbm>>
    tpu.enqueue_dma source(%arg11 : memref<200x128xf32, #tpu.memory_space<vmem>>) target(%dma_start3A_52 : memref<200x128xf32, #tpu.memory_space<hbm>>) target_semaphore(%arg19 : memref<!tpu.dma_semaphore, #tpu.memory_space<semaphore_mem>>)
    %dma_wait3A_53 = arith.constant 0 : i32
    %dma_wait3A_54 = arith.constant 0 : i32
    %dma_wait3A_55 = tpu.memref_slice %arg3[%dma_wait3A_53, %dma_wait3A_54] : memref<50000x128xf32, #tpu.memory_space<hbm>> -> memref<50000x128xf32, #tpu.memory_space<hbm>>
    tpu.wait_indirect_dma semaphore(%arg16 : memref<!tpu.dma_semaphore, #tpu.memory_space<semaphore_mem>>) src(%dma_wait3A_55 : memref<50000x128xf32, #tpu.memory_space<hbm>>) dst(%arg12 : memref<200x128xf32, #tpu.memory_space<vmem>>)
    %add3A_56 = arith.constant 25400 : i32
    %add3A_57 = arith.addi %mul3A_2, %add3A_56 : i32
    %dma_start3A_58 = arith.constant 0 : i32
    %dma_start3A_59 = tpu.memref_slice %arg4[%add3A_57, %dma_start3A_58] : memref<819200x128xf32, #tpu.memory_space<hbm>> -> memref<200x128xf32, #tpu.memory_space<hbm>>
    %dma_start3A_60 = arith.constant 0 : i32
    %dma_start3A_61 = tpu.memref_slice %arg4[%add3A_57, %dma_start3A_60] : memref<819200x128xf32, #tpu.memory_space<hbm>> -> memref<200x128xf32, #tpu.memory_space<hbm>>
    tpu.enqueue_dma source(%arg12 : memref<200x128xf32, #tpu.memory_space<vmem>>) target(%dma_start3A_61 : memref<200x128xf32, #tpu.memory_space<hbm>>) target_semaphore(%arg20 : memref<!tpu.dma_semaphore, #tpu.memory_space<semaphore_mem>>)
    %add3A_62 = arith.constant 24800 : i32
    %add3A_63 = arith.addi %mul3A_2, %add3A_62 : i32
    %dma_wait3A_64 = arith.constant 0 : i32
    %dma_wait3A_65 = tpu.memref_slice %arg4[%add3A_63, %dma_wait3A_64] : memref<819200x128xf32, #tpu.memory_space<hbm>> -> memref<200x128xf32, #tpu.memory_space<hbm>>
    %dma_wait3A_66 = arith.constant 0 : i32
    %dma_wait3A_67 = tpu.memref_slice %arg4[%add3A_63, %dma_wait3A_66] : memref<819200x128xf32, #tpu.memory_space<hbm>> -> memref<200x128xf32, #tpu.memory_space<hbm>>
    tpu.wait_dma2 semaphore(%arg17 : memref<!tpu.dma_semaphore, #tpu.memory_space<semaphore_mem>>) src(%arg9 : memref<200x128xf32, #tpu.memory_space<vmem>>) dst(%dma_wait3A_67 : memref<200x128xf32, #tpu.memory_space<hbm>>)
    %add3A_68 = arith.constant 25000 : i32
    %add3A_69 = arith.addi %mul3A_2, %add3A_68 : i32
    %dma_wait3A_70 = arith.constant 0 : i32
    %dma_wait3A_71 = tpu.memref_slice %arg4[%add3A_69, %dma_wait3A_70] : memref<819200x128xf32, #tpu.memory_space<hbm>> -> memref<200x128xf32, #tpu.memory_space<hbm>>
    %dma_wait3A_72 = arith.constant 0 : i32
    %dma_wait3A_73 = tpu.memref_slice %arg4[%add3A_69, %dma_wait3A_72] : memref<819200x128xf32, #tpu.memory_space<hbm>> -> memref<200x128xf32, #tpu.memory_space<hbm>>
    tpu.wait_dma2 semaphore(%arg18 : memref<!tpu.dma_semaphore, #tpu.memory_space<semaphore_mem>>) src(%arg10 : memref<200x128xf32, #tpu.memory_space<vmem>>) dst(%dma_wait3A_73 : memref<200x128xf32, #tpu.memory_space<hbm>>)
    %add3A_74 = arith.constant 25200 : i32
    %add3A_75 = arith.addi %mul3A_2, %add3A_74 : i32
    %dma_wait3A_76 = arith.constant 0 : i32
    %dma_wait3A_77 = tpu.memref_slice %arg4[%add3A_75, %dma_wait3A_76] : memref<819200x128xf32, #tpu.memory_space<hbm>> -> memref<200x128xf32, #tpu.memory_space<hbm>>
    %dma_wait3A_78 = arith.constant 0 : i32
    %dma_wait3A_79 = tpu.memref_slice %arg4[%add3A_75, %dma_wait3A_78] : memref<819200x128xf32, #tpu.memory_space<hbm>> -> memref<200x128xf32, #tpu.memory_space<hbm>>
    tpu.wait_dma2 semaphore(%arg19 : memref<!tpu.dma_semaphore, #tpu.memory_space<semaphore_mem>>) src(%arg11 : memref<200x128xf32, #tpu.memory_space<vmem>>) dst(%dma_wait3A_79 : memref<200x128xf32, #tpu.memory_space<hbm>>)
    %add3A_80 = arith.constant 25400 : i32
    %add3A_81 = arith.addi %mul3A_2, %add3A_80 : i32
    %dma_wait3A_82 = arith.constant 0 : i32
    %dma_wait3A_83 = tpu.memref_slice %arg4[%add3A_81, %dma_wait3A_82] : memref<819200x128xf32, #tpu.memory_space<hbm>> -> memref<200x128xf32, #tpu.memory_space<hbm>>
    %dma_wait3A_84 = arith.constant 0 : i32
    %dma_wait3A_85 = tpu.memref_slice %arg4[%add3A_81, %dma_wait3A_84] : memref<819200x128xf32, #tpu.memory_space<hbm>> -> memref<200x128xf32, #tpu.memory_space<hbm>>
    tpu.wait_dma2 semaphore(%arg20 : memref<!tpu.dma_semaphore, #tpu.memory_space<semaphore_mem>>) src(%arg12 : memref<200x128xf32, #tpu.memory_space<vmem>>) dst(%dma_wait3A_85 : memref<200x128xf32, #tpu.memory_space<hbm>>)
    return
  }
}

</mosaic_0001>

<sc_bundles>
// kernel: kernel.3.cloned.1.call-start
scs
__scs_entry_jumppad:
0x0: {  	(pc) =	sbr.rel $0x88, $3  }
0x1: {  	(tag) =	ssettag $0x0;
	lr =	simm.s32 $0x1  }
0x2: {  	[smem:$0x3F9F] =	sst lr;
	_ =	strace $0xD0000000  }
0x3: {  	_ = 	snop  }
0x4: {  	_ = 	snop  }
0x5: {  	_ = 	snop  }
0x6: {  	_ = 	snop  }
0x7: {  	_ = 	snop  }
__scs_overlays_trampoline_lowered:
0x8: {  	[smem:$0x3FAE] =	sst s0  }
0x9: {  	[smem:$0x3FAF] =	sst s1  }
0xa: {  	[smem:$0x3FB0] =	sst s2  }
0xb: {  	[smem:$0x3FB1] =	sst s3  }
0xc: {  	[smem:$0x3FB2] =	sst s4  }
0xd: {  	[smem:$0x3FB3] =	sst s5  }
0xe: {  	[smem:$0x3FB4] =	sst s6  }
0xf: {  	[smem:$0x3FB5] =	sst s7  }
0x10: {  	[smem:$0x3FB6] =	sst s8  }
0x11: {  	[smem:$0x3FB7] =	sst s9;
	s0 =	simm.s32 @!p0 $0x0  }
0x12: {  	s1 =	sld [smem:$0x3F9D];
	s0 =	simm.s32 @p0 $0x1  }
0x13: {  	[smem:$0x3FB8] =	sst s0;
	s0 =	simm.s32 @!p1 $0x0  }
0x14: {  	s2 =	sld [smem:$0x3F9C];
	s0 =	simm.s32 @p1 $0x1  }
0x15: {  	[smem:$0x3FB9] =	sst s0;
	s0 =	simm.s32 @!p2 $0x0  }
0x16: {  	s3 =	sld [smem:$0x3FDB];
	s0 =	simm.s32 @p2 $0x1  }
0x17: {  	s4 =	simm.s32 $0x1BF5;
	[smem:$0x3FBB] =	sst s0  }
0x18: {  	s0 =	sld [smem:$0x3F9E];
	_ =	swait.ge [sflag:s4], $0x0  }
0x19: {  	s7 =	sld [smem:$0x3F9F]  }
0x1a: {  	s8 =	sadd.s32 $0xFFFFE003, lr  }
0x1b: {  	s9 =	sadd.s32 $0xFFFFFEF7, lr;
	s5 =	simm.s32 $0xFFFFFFFF;
	p2 =	slt.u32 s8, $0xFFFFF086  }
0x1c: {  	p1 =	slt.u32 s9, $0xF7A;
	s5 =	simm.s32 @!p2 $0x0  }
0x1d: {  	s5 =	simm.s32 @p1 $0x1;
	p0 =	seq.s32 s7, s2  }
0x1e: {  	s7 =	smul.u32 @!p0 $0xF7A, s2;
	p2 =	seq.s32 @!p0 s5, $0x0  }
0x1f: {  	s9 =	smul.u32 $0xF7A, s1;
	s8 =	simm.s32 @!p0 $0x1BF5;
	p2 =	por !p2, p0  }
0x20: {  	[sflag:s8] =	ssyncset.s32 @!p0 $0xFFFFF086;
	s6 =	sadd.s32 @!p0 s3, s7;
	s7 =	simm.s32 @!p0 $0x108  }
0x21: {  	s3 =	sadd.s32 s3, s9;
	s6 =	sadd.s32 @!p0 $0x88, s6;
	s7 =	simm.s32 @p2 $0x1082  }
0x22: {  	[simem:s7], [sflag:s8] =	dma.local @!p0 [hbm:s6], $0xF7A  }
0x23: {  	s9 =	sor.u32 $0xD0000000, s2;
	s6 =	simm.s32 $0x108;
	_ =	swait.ge @!p0 [sflag:s8], $0x0  }
0x24: {  	s3 =	sadd.s32 $0x88, s3;
	s6 =	simm.s32 @!p1 $0x1082;
	[sflag:s4] =	ssyncset.s32 $0xFFFFF086  }
0x25: {  	[simem:s6], [sflag:s4] =	dma.local [hbm:s3], $0xF7A  }
0x26: {  	[smem:$0x3F9F] =	sst s1;
	(tag) =	ssettag s2;
	_ =	strace s9  }
0x27: {  	s1 =	sld [smem:$0x3FAF]  }
0x28: {  	s2 =	sld [smem:$0x3FB0]  }
0x29: {  	s4 =	sld [smem:$0x3FB2]  }
0x2a: {  	p0 =	seq.s32 s5, $0x0;
	s5 =	sld [smem:$0x3FB3]  }
0x2b: {  	s6 =	sld [smem:$0x3FB4]  }
0x2c: {  	s7 =	sld [smem:$0x3FB5]  }
0x2d: {  	s3 =	simm.s32 $0x108;
	s8 =	sld [smem:$0x3FB6]  }
0x2e: {  	s3 =	simm.s32 @!p0 $0x1082;
	s9 =	sld [smem:$0x3FB7]  }
0x2f: {  	lr =	sadd.s32 s0, s3;
	s0 =	sld [smem:$0x3FAE]  }
0x30: {  	s3 =	sld [smem:$0x3FB1]  }
0x31: {  	[smem:$0x3FBA] =	sst s10  }
0x32: {  	s10 =	sld [smem:$0x3FB8];
	_ =	sdelay $0x3  }
0x33: {  	p0 =	seq.s32 s10, $0x1;
	s10 =	sld [smem:$0x3FBA];
	_ =	sdelay $0x3  }
0x34: {  	[smem:$0x3FBA] =	sst s10  }
0x35: {  	s10 =	sld [smem:$0x3FB9];
	_ =	sdelay $0x3  }
0x36: {  	p1 =	seq.s32 s10, $0x1;
	s10 =	sld [smem:$0x3FBA];
	_ =	sdelay $0x3  }
0x37: {  	[smem:$0x3FBA] =	sst s10  }
0x38: {  	s10 =	sld [smem:$0x3FBB]  }
0x39: {  	_ = 	snop;
	(pc) =	sbr.ind lr, $3  }
0x3a: {  	_ = 	snop  }
0x3b: {  	_ = 	snop  }
0x3c: {  	p2 =	seq.s32 s10, $0x1;
	s10 =	sld [smem:$0x3FBA]  }
0x3d: {  	_ =	shalt  }
0x3e: {  	_ =	shalt  }
0x3f: {  	_ =	shalt  }
0x40: {  	_ =	shalt  }
0x41: {  	_ =	shalt  }
0x42: {  	_ =	shalt  }
0x43: {  	_ =	shalt  }
0x44: {  	_ =	shalt  }
0x45: {  	_ =	shalt  }
0x46: {  	_ =	shalt  }
0x47: {  	_ =	shalt  }
0x48: {  	_ =	shalt  }
0x49: {  	_ =	shalt  }
0x4a: {  	_ =	shalt  }
0x4b: {  	_ =	shalt  }
0x4c: {  	_ =	shalt  }
0x4d: {  	_ =	shalt  }
0x4e: {  	_ =	shalt  }
0x4f: {  	_ =	shalt  }
0x50: {  	_ =	shalt  }
0x51: {  	_ =	shalt  }
0x52: {  	_ =	shalt  }
0x53: {  	_ =	shalt  }
0x54: {  	_ =	shalt  }
0x55: {  	_ =	shalt  }
0x56: {  	_ =	shalt  }
0x57: {  	_ =	shalt  }
0x58: {  	_ =	shalt  }
0x59: {  	_ =	shalt  }
0x5a: {  	_ =	shalt  }
0x5b: {  	_ =	shalt  }
0x5c: {  	_ =	shalt  }
0x5d: {  	_ =	shalt  }
0x5e: {  	_ =	shalt  }
0x5f: {  	_ =	shalt  }
0x60: {  	_ =	shalt  }
0x61: {  	_ =	shalt  }
0x62: {  	_ =	shalt  }
0x63: {  	_ =	shalt  }
0x64: {  	_ =	shalt  }
0x65: {  	_ =	shalt  }
0x66: {  	_ =	shalt  }
0x67: {  	_ =	shalt  }
0x68: {  	_ =	shalt  }
0x69: {  	_ =	shalt  }
0x6a: {  	_ =	shalt  }
0x6b: {  	_ =	shalt  }
0x6c: {  	_ =	shalt  }
0x6d: {  	_ =	shalt  }
0x6e: {  	_ =	shalt  }
0x6f: {  	_ =	shalt  }
0x70: {  	_ =	shalt  }
0x71: {  	_ =	shalt  }
0x72: {  	_ =	shalt  }
0x73: {  	_ =	shalt  }
0x74: {  	_ =	shalt  }
0x75: {  	_ =	shalt  }
0x76: {  	_ =	shalt  }
0x77: {  	_ =	shalt  }
0x78: {  	_ =	shalt  }
0x79: {  	_ =	shalt  }
0x7a: {  	_ =	shalt  }
0x7b: {  	_ =	shalt  }
0x7c: {  	_ =	shalt  }
0x7d: {  	_ =	shalt  }
0x7e: {  	_ =	shalt  }
0x7f: {  	_ =	shalt  }
0x80: {  	_ =	shalt  }
0x81: {  	_ =	shalt  }
0x82: {  	_ =	shalt  }
0x83: {  	_ =	shalt  }
0x84: {  	_ =	shalt  }
0x85: {  	_ =	shalt  }
0x86: {  	_ =	shalt  }
0x87: {  	_ =	shalt  }
.Lfunc_end0:
.L_simem_size_0:
called_computation_lowered:
.L_overlay_start_0:
0x88: {  	s2 =	sld [smem:$0x3FD9]  }
0x89: {  	s3 =	sld [smem:$0x3FFE];
	_ =	sdelay $0x1  }
0x8a: {  	s1 =	srdreg.scid  }
0x8b: {  	s0 =	sand.u32 $0x1, s1  }
0x8c: {  	s17 =	sshll.u32 s0, $0xA;
	s2 =	sadd.s32 s3, s2  }
0x8d: {  	s2 =	sadd.s32 s2, s17  }
0x8e: {  	[smem:$0x3FC6] =	sst s2  }
0x8f: {  	_ = 	snop  }
0x90: {  	s2 =	sld [smem:$0x3FC8]  }
0x91: {  	s18 =	sld [smem:$0x3FD0];
	(tm) =	ssettm $0x1  }
0x92: {  	s4 =	sld [smem:$0x3FFB];
	_ =	sdelay $0x3  }
0x93: {  	_ =	strace s4  }
0x94: {  	s4 =	sld [smem:$0x3FFC];
	_ =	sdelay $0x3  }
0x95: {  	_ =	strace s4  }
0x96: {  	s4 =	sld [smem:$0x3FFD];
	_ =	sdelay $0x3  }
0x97: {  	_ =	strace s4  }
0x98: {  	_ =	strace $0x8FFFFFFF  }
0x99: {  	s19 =	sld [smem:$0x3FDB];
	_ =	sdelay $0x1  }
0x9a: {  	s5 =	simm.s32 $_scs_section_size  }
0x9b: {  	s6 =	simm.s32 $_size__tile_overlayer_lowered;
	s7 =	simm.s32 $_tile_overlayer_lowered  }
0x9c: {  	s22 =	simm.s32 $0x1BFF;
	s21 =	sshll.u32 s7, $0x1;
	s4 =	sadd.s32 s5, s19  }
0x9d: {  	s8 =	simm.s32 $0x0;
	s20 =	sshll.u32 s6, $0x1;
	s6 =	sadd.s32 s21, s4  }
0x9e: {  	[timem:s8], [sflag:s22] =	dma.local [hbm:s6], s20  }
0x9f: {  	_ =	swait.ge [sflag:s22], s20  }
0xa0: {  	s5 =	ssub.s32 $0x0, s20;
	[sflag:s22] =	ssyncset.done $0x0  }
0xa1: {  	[sflag:s22] =	ssyncadd.s32 s5;
	_ =	sdelay $0x1  }
0xa2: {  	s23 =	simm.s32 $0x1B8B  }
0xa3: {  	_ =	swait.ge [sflag:s23], $0x1  }
0xa4: {  	[sflag:s23] =	ssyncset.done $0x0  }
0xa5: {  	s25 =	simm.s32 $0x1B8E;
	s24 =	sld [smem:$0x3FFE];
	[sflag:s23] =	ssyncadd.s32 $0xFFFFFFFF  }
0xa6: {  	s26 =	simm.s32 $execute0_lowered;
	[smem:$0x3FD2] =	sst s25  }
0xa7: {  	s6 =	sshll.u32 s26, $0x1;
	_ =	strace $0x80000046;
	[dreg:$0x1] =	wrdreg $0xFFFFFFFF  }
0xa8: {  	s28 =	simm.s32 $_size_execute0_lowered;
	s4 =	sadd.s32 s4, s6;
	[dreg:$0x0] =	wrdreg $0x0  }
0xa9: {  	s6 =	sshll.u32 s28, $0x1;
	[dreg:$0x2] =	wrdreg s4  }
0xaa: {  	[dreg:$0x3] =	wrdreg s6  }
0xab: {  	[dreg:$0x4] =	wrdreg $0xC0  }
0xac: {  	_ =	task [dreg:s8], $0x5FFFF  }
0xad: {  	[dreg:$0x1] =	wrdreg $0xFFFFFFFF  }
0xae: {  	[dreg:$0x0] =	wrdreg $0x60  }
0xaf: {  	[dreg:$0x2] =	wrdreg s24  }
0xb0: {  	[dreg:$0x3] =	wrdreg s2  }
0xb1: {  	[dreg:$0x4] =	wrdreg s18  }
0xb2: {  	[dreg:$0x5] =	wrdreg $0x9  }
0xb3: {  	_ =	task.clear_ibuf [dreg:s8], $0x6FFFF;
	_ =	strace $0x90000046  }
0xb4: {  	s29 =	simm.s32 $0x9;
	_ =	strace $0x80000048  }
0xb5: {  	_ =	swait.ge [sflag:s29], $0x1  }
0xb6: {  	[sflag:s29] =	ssyncadd.s32 $0xFFFFFFFF  }
0xb7: {  	_ =	strace $0x90000048  }
0xb8: {  	_ =	sfence  }
0xb9: {  	s30 =	sld [smem:$0x0];
	_ =	sdelay $0x2  }
0xba: {  	s31 =	sshll.u32 s1, $0xD;
	s1 =	sshrl.u32 s1, $0x2  }
0xbb: {  	s3 =	sand.u32 $0x4000, s31;
	s1 =	sadd.s32 s1, s30  }
0xbc: {  	s0 =	sor.u32 s3, s0;
	s1 =	sshll.u32 s1, $0x11  }
0xbd: {  	s0 =	sor.u32 s1, s0  }
0xbe: {  	s0 =	sadd.s32 $0x8F2B, s0  }
0xbf: {  	[sflag:s0] =	ssyncadd.remote.s32 $0x1  }
0xc0: {  	_ =	sfence.sel $0xFFFF  }
0xc1: {  	[dreg:$0x0] =	wrdreg $0xFFFFFFFF;
	(pc) =	sbr.abs _section_cstart, $3  }
0xc2: {  	[dreg:$0x1] =	wrdreg $0xFFFFFFFF  }
0xc3: {  	_ =	task.clear_ibuf [dreg:s8], $0x2FFFF;
	_ =	strace $0x9FFFFFFF  }
0xc4: {  	(tm) =	ssettm $0x7FFFFFFF  }
0xc5: {  	_ =	shalt  }
tec
execute0_lowered:
.L_overlay_start_1:
0x0: {  	(tag) =	ssettag $0x1  }
0x1: {  	s0 =	rddreg [dreg:$0x0]  }
0x2: {  	s2 =	rddreg [dreg:$0x1];
	s11 =	stileid.u32  }
0x3: {  	s1 =	rddreg [dreg:$0x2];
	s17 =	smul.u32 $0xC8000, s11  }
0x4: {  	s3 =	srdreg.scid;
	s19 =	smul.u32 $0x640000, s11  }
0x5: {  	s4 =	sand.u32 $0x1, s3;
	s5 =	sshll.u32 s11, $0x1;
	s11 =	smul.u32 $0xC800, s11  }
0x6: {  	s28 =	simm.s32 $0x2;
	s29 =	simm.s32 $0x5;
	s18 =	smul.u32 $0x64000, s4  }
0x7: {  	s30 =	simm.s32 $0x3;
	s31 =	simm.s32 $0x6;
	s20 =	smul.u32 $0x320000, s4  }
0x8: {  	s6 =	ssub.s32 $0x2, s4;
	s5 =	sor.u32 s4, s5;
	s4 =	smul.u32 $0x6400, s4  }
0x9: {  	s3 =	simm.s32 $0x0;
	s0 =	sadd.s32 $0x400, s0;
	s8 =	smul.u32 $0x6400, s5  }
0xa: {  	[smem:$0x7FF] =	sst s3;
	s7 =	sshrl.u32 s6, $0x1;
	s9 =	smul.u32 $0x64000, s5  }
0xb: {  	_ =	strace $0x80000047;
	s5 =	smul.u32 $0x320000, s5;
	s6 =	ssub.s32 s6, s7  }
0xc: {  	s4 =	sadd.s32 s4, s11;
	s14 =	sshrl.u32 s8, $0x3;
	s8 =	sor.u32 $0xC8, s8  }
0xd: {  	s9 =	sadd.s32 s1, s9;
	s5 =	sshrl.u32 s5, $0x3;
	s23 =	sor.u32 $0x320, s4  }
0xe: {  	s6 =	smax.u32 s6, $0x1;
	s25 =	sadd.s32 $0x578, s4;
	s26 =	sadd.s32 $0x4B0, s4  }
0xf: {  	s4 =	sor.u32 $0x3E8, s4;
	s10 =	sadd.s32 s0, s14;
	s15 =	sshrl.u32 s8, $0x3  }
0x10: {  	[dreg:$0xb] =	wrdreg s9;
	s8 =	sshll.u32 s8, $0x4;
	s5 =	sadd.s32 s1, s5  }
0x11: {  	s24 =	sshrl.u32 s23, $0x3;
	[dreg:$0xf] =	wrdreg s6;
	s4 =	sshrl.u32 s4, $0x3  }
0x12: {  	s23 =	simm.s32 $0xCC00;
	s7 =	sadd.s32 s0, s15;
	[dreg:$0x7] =	wrdreg s10  }
0x13: {  	s6 =	simm.s32 $0x0;
	s16 =	sadd.s32 $0x32, s10;
	[dreg:$0x8] =	wrdreg s7  }
0x14: {  	s10 =	sadd.s32 $0x4B, s10;
	s8 =	sadd.s32 s1, s8;
	[dreg:$0x9] =	wrdreg s16  }
0x15: {  	s12 =	sadd.s32 $0x62700, s5;
	s5 =	sadd.s32 $0x63380, s5;
	[dreg:$0xa] =	wrdreg s10  }
0x16: {  	s13 =	sadd.s32 s24, s0;
	s24 =	simm.s32 $0x300;
	[dreg:$0xc] =	wrdreg s8  }
0x17: {  	[dreg:$0xd] =	wrdreg s12;
	s7 =	sadd.s32 s17, s1;
	s8 =	sadd.s32 s20, s19  }
0x18: {  	[dreg:$0xe] =	wrdreg s5;
	s16 =	sadd.s32 s4, s0;
	s17 =	simm.s32 $0x9  }
0x19: {  	s19 =	simm.s32 $0x400;
	s20 =	simm.s32 $0x100;
	s21 =	sor.u32 $0x12C00, s8  }
0x1a: {  	s7 =	sadd.s32 s18, s7;
	s22 =	sor.u32 $0xC800, s8;
	s5 =	sshrl.u32 s21, $0x3  }
0x1b: {  	[dreg:$0x4] =	wrdreg s7;
	s7 =	sshrl.u32 s22, $0x3;
	s5 =	sadd.s32 s5, s1  }
0x1c: {  	s18 =	simm.s32 $0xC8;
	s1 =	sadd.s32 s7, s1;
	[dreg:$0x5] =	wrdreg s5  }
0x1d: {  	s21 =	simm.s32 $0x6800;
	s22 =	simm.s32 $0x200;
	[dreg:$0x6] =	wrdreg s1  }
0x1e: {  	s1 =	sshrl.u32 s25, $0x3;
	s5 =	sshrl.u32 s26, $0x3;
	s25 =	simm.s32 $0x13000  }
0x1f: {  	s26 =	simm.s32 $0x1;
	s14 =	sadd.s32 s1, s0;
	s15 =	sadd.s32 s5, s0  }
0x20: {  	s0 =	simm.s32 $0x4;
	s1 =	simm.s32 $0x7;
	s5 =	simm.s32 $0x8  }
.LBB2_1:
0x21: {  	s4 =	rddreg [dreg:$0x7]  }
0x22: {  	[tilespmem:s3], [sflag:$0x9] =	stream.linear.gather [hbm4b:s4+s3], $0xC8, $0x38;
	[tilespmem:$0x19400] =	vst v63  }
0x23: {  	_ =	swait.ge [sflag:s17], $0xC8  }
0x24: {  	[sflag:s17] =	ssyncset.done $0x0  }
0x25: {  	[sflag:s17] =	ssyncadd.s32 $0xFFFFFF38  }
0x26: {  	[tilespmem:s19], [sflag:$0x1] =	stream.indirect.gather [hbm4b:s2+s18], $0x80, s3, s18, $0xb8;
	[tilespmem:$0x19400] =	vst v63  }
0x27: {  	s11 =	rddreg [dreg:$0x8]  }
0x28: {  	[tilespmem:s20], [sflag:$0x9] =	stream.linear.gather [hbm4b:s11+s3], $0xC8, $0x38;
	[tilespmem:$0x19400] =	vst v63  }
0x29: {  	_ =	swait.ge [sflag:s17], $0xC8  }
0x2a: {  	[sflag:s17] =	ssyncset.done $0x0  }
0x2b: {  	[sflag:s17] =	ssyncadd.s32 $0xFFFFFF38  }
0x2c: {  	[tilespmem:s21], [sflag:$0x2] =	stream.indirect.gather [hbm4b:s2+s18], $0x80, s20, s18, $0xb8;
	[tilespmem:$0x19400] =	vst v63  }
0x2d: {  	s12 =	rddreg [dreg:$0x9]  }
0x2e: {  	[tilespmem:s22], [sflag:$0x9] =	stream.linear.gather [hbm4b:s12+s3], $0xC8, $0x38;
	[tilespmem:$0x19400] =	vst v63  }
0x2f: {  	_ =	swait.ge [sflag:s17], $0xC8  }
0x30: {  	[sflag:s17] =	ssyncset.done $0x0  }
0x31: {  	[sflag:s17] =	ssyncadd.s32 $0xFFFFFF38  }
0x32: {  	[tilespmem:s23], [sflag:$0x3] =	stream.indirect.gather [hbm4b:s2+s18], $0x80, s22, s18, $0xb8;
	[tilespmem:$0x19400] =	vst v63  }
0x33: {  	s7 =	rddreg [dreg:$0xa]  }
0x34: {  	[tilespmem:s24], [sflag:$0x9] =	stream.linear.gather [hbm4b:s7+s3], $0xC8, $0x38;
	[tilespmem:$0x19400] =	vst v63  }
0x35: {  	_ =	swait.ge [sflag:s17], $0xC8  }
0x36: {  	[sflag:s17] =	ssyncset.done $0x0  }
0x37: {  	[sflag:s17] =	ssyncadd.s32 $0xFFFFFF38  }
0x38: {  	[tilespmem:s25], [sflag:$0x4] =	stream.indirect.gather [hbm4b:s2+s18], $0x80, s24, s18, $0xb8;
	[tilespmem:$0x19400] =	vst v63  }
0x39: {  	_ =	swait.ge [sflag:s26], $0x6400  }
0x3a: {  	[sflag:s26] =	ssyncset.done $0x0  }
0x3b: {  	s8 =	rddreg [dreg:$0xb];
	[sflag:s26] =	ssyncadd.s32 $0xFFFF9C00  }
0x3c: {  	[hbm4b:s8+s3] =	stream.linear.scatter [tilespmem:s19], [sflag:$0x5], $0x6400, $0x38;
	[tilespmem:$0x19400] =	vst v63  }
0x3d: {  	_ =	swait.ge [sflag:s28], $0x6400  }
0x3e: {  	[sflag:s28] =	ssyncset.done $0x0  }
0x3f: {  	s9 =	rddreg [dreg:$0xc];
	[sflag:s28] =	ssyncadd.s32 $0xFFFF9C00  }
0x40: {  	[hbm4b:s9+s3] =	stream.linear.scatter [tilespmem:s21], [sflag:$0x6], $0x6400, $0x38;
	[tilespmem:$0x19400] =	vst v63  }
0x41: {  	_ =	swait.ge [sflag:s29], $0x6400  }
0x42: {  	[sflag:s29] =	ssyncset.done $0x0  }
0x43: {  	[sflag:s29] =	ssyncadd.s32 $0xFFFF9C00  }
0x44: {  	[tilespmem:s3], [sflag:$0x9] =	stream.linear.gather [hbm4b:s13+s3], $0xC8, $0x38;
	[tilespmem:$0x19400] =	vst v63  }
0x45: {  	_ =	swait.ge [sflag:s17], $0xC8  }
0x46: {  	[sflag:s17] =	ssyncset.done $0x0  }
0x47: {  	[sflag:s17] =	ssyncadd.s32 $0xFFFFFF38  }
0x48: {  	[tilespmem:s19], [sflag:$0x1] =	stream.indirect.gather [hbm4b:s2+s18], $0x80, s3, s18, $0xb8;
	[tilespmem:$0x19400] =	vst v63  }
0x49: {  	_ =	swait.ge [sflag:s30], $0x6400  }
0x4a: {  	s10 =	rddreg [dreg:$0x6];
	[sflag:s30] =	ssyncset.done $0x0  }
0x4b: {  	[sflag:s30] =	ssyncadd.s32 $0xFFFF9C00;
	s4 =	sadd.s32 $0x0, s10  }
0x4c: {  	[hbm4b:s4+s3] =	stream.linear.scatter [tilespmem:s23], [sflag:$0x7], $0x6400, $0x38;
	[tilespmem:$0x19400] =	vst v63  }
0x4d: {  	_ =	swait.ge [sflag:s31], $0x6400  }
0x4e: {  	[sflag:s31] =	ssyncset.done $0x0  }
0x4f: {  	[sflag:s31] =	ssyncadd.s32 $0xFFFF9C00  }
0x50: {  	[tilespmem:s20], [sflag:$0x9] =	stream.linear.gather [hbm4b:s16+s3], $0xC8, $0x38;
	[tilespmem:$0x19400] =	vst v63  }
0x51: {  	_ =	swait.ge [sflag:s17], $0xC8  }
0x52: {  	[sflag:s17] =	ssyncset.done $0x0  }
0x53: {  	[sflag:s17] =	ssyncadd.s32 $0xFFFFFF38  }
0x54: {  	[tilespmem:s21], [sflag:$0x2] =	stream.indirect.gather [hbm4b:s2+s18], $0x80, s20, s18, $0xb8;
	[tilespmem:$0x19400] =	vst v63  }
0x55: {  	_ =	swait.ge [sflag:s0], $0x6400  }
0x56: {  	s11 =	rddreg [dreg:$0x5];
	[sflag:s0] =	ssyncset.done $0x0  }
0x57: {  	[sflag:s0] =	ssyncadd.s32 $0xFFFF9C00;
	s4 =	sadd.s32 $0x0, s11  }
0x58: {  	[hbm4b:s4+s3] =	stream.linear.scatter [tilespmem:s25], [sflag:$0x8], $0x6400, $0x38;
	[tilespmem:$0x19400] =	vst v63  }
0x59: {  	_ =	swait.ge [sflag:s1], $0x6400  }
0x5a: {  	[sflag:s1] =	ssyncset.done $0x0  }
0x5b: {  	[sflag:s1] =	ssyncadd.s32 $0xFFFF9C00  }
0x5c: {  	[tilespmem:s22], [sflag:$0x9] =	stream.linear.gather [hbm4b:s15+s3], $0xC8, $0x38;
	[tilespmem:$0x19400] =	vst v63  }
0x5d: {  	_ =	swait.ge [sflag:s17], $0xC8  }
0x5e: {  	[sflag:s17] =	ssyncset.done $0x0  }
0x5f: {  	[sflag:s17] =	ssyncadd.s32 $0xFFFFFF38  }
0x60: {  	[tilespmem:s23], [sflag:$0x3] =	stream.indirect.gather [hbm4b:s2+s18], $0x80, s22, s18, $0xb8;
	[tilespmem:$0x19400] =	vst v63  }
0x61: {  	_ =	swait.ge [sflag:s26], $0x6400  }
0x62: {  	s12 =	rddreg [dreg:$0x4]  }
0x63: {  	[sflag:s26] =	ssyncset.done $0x0;
	s4 =	sadd.s32 $0x0, s12  }
0x64: {  	[sflag:s26] =	ssyncadd.s32 $0xFFFF9C00;
	s7 =	sadd.s32 $0x3200, s4  }
0x65: {  	[hbm4b:s7+s3] =	stream.linear.scatter [tilespmem:s19], [sflag:$0x5], $0x6400, $0x38;
	[tilespmem:$0x19400] =	vst v63  }
0x66: {  	_ =	swait.ge [sflag:s5], $0x6400  }
0x67: {  	[sflag:s5] =	ssyncset.done $0x0  }
0x68: {  	[sflag:s5] =	ssyncadd.s32 $0xFFFF9C00  }
0x69: {  	[tilespmem:s24], [sflag:$0x9] =	stream.linear.gather [hbm4b:s14+s3], $0xC8, $0x38;
	[tilespmem:$0x19400] =	vst v63  }
0x6a: {  	_ =	swait.ge [sflag:s17], $0xC8  }
0x6b: {  	[sflag:s17] =	ssyncset.done $0x0  }
0x6c: {  	[sflag:s17] =	ssyncadd.s32 $0xFFFFFF38  }
0x6d: {  	[tilespmem:s25], [sflag:$0x4] =	stream.indirect.gather [hbm4b:s2+s18], $0x80, s24, s18, $0xb8;
	[tilespmem:$0x19400] =	vst v63  }
0x6e: {  	s8 =	sadd.s32 $0x64, s16;
	s9 =	sadd.s32 $0x64, s14;
	_ =	swait.ge [sflag:s28], $0x6400  }
0x6f: {  	s10 =	sadd.s32 $0x64, s15;
	s11 =	sadd.s32 $0x3E80, s4;
	[sflag:s28] =	ssyncset.done $0x0  }
0x70: {  	s4 =	sadd.s32 $0x64, s13;
	s7 =	simm.s32 $0x3200;
	[sflag:s28] =	ssyncadd.s32 $0xFFFF9C00  }
.LBB2_2:
0x71: {  	[hbm4b:s11+s3] =	stream.linear.scatter [tilespmem:s21], [sflag:$0x6], $0x6400, $0x38;
	[tilespmem:$0x19400] =	vst v63  }
0x72: {  	_ =	swait.ge [sflag:s29], $0x6400  }
0x73: {  	[sflag:s29] =	ssyncset.done $0x0  }
0x74: {  	[sflag:s29] =	ssyncadd.s32 $0xFFFF9C00  }
0x75: {  	[tilespmem:s3], [sflag:$0x9] =	stream.linear.gather [hbm4b:s4+s3], $0xC8, $0x38;
	[tilespmem:$0x19400] =	vst v63  }
0x76: {  	_ =	swait.ge [sflag:s17], $0xC8  }
0x77: {  	[sflag:s17] =	ssyncset.done $0x0  }
0x78: {  	[sflag:s17] =	ssyncadd.s32 $0xFFFFFF38  }
0x79: {  	[tilespmem:s19], [sflag:$0x1] =	stream.indirect.gather [hbm4b:s2+s18], $0x80, s3, s18, $0xb8;
	[tilespmem:$0x19400] =	vst v63  }
0x7a: {  	_ =	swait.ge [sflag:s30], $0x6400  }
0x7b: {  	s11 =	smov.u32 s7;
	s12 =	rddreg [dreg:$0x6];
	[sflag:s30] =	ssyncset.done $0x0  }
0x7c: {  	[sflag:s30] =	ssyncadd.s32 $0xFFFF9C00;
	s12 =	sadd.s32 s11, s12  }
0x7d: {  	[hbm4b:s12+s3] =	stream.linear.scatter [tilespmem:s23], [sflag:$0x7], $0x6400, $0x38;
	[tilespmem:$0x19400] =	vst v63  }
0x7e: {  	_ =	swait.ge [sflag:s31], $0x6400  }
0x7f: {  	[sflag:s31] =	ssyncset.done $0x0  }
0x80: {  	[sflag:s31] =	ssyncadd.s32 $0xFFFF9C00  }
0x81: {  	[tilespmem:s20], [sflag:$0x9] =	stream.linear.gather [hbm4b:s8+s3], $0xC8, $0x38;
	[tilespmem:$0x19400] =	vst v63  }
0x82: {  	_ =	swait.ge [sflag:s17], $0xC8  }
0x83: {  	[sflag:s17] =	ssyncset.done $0x0  }
0x84: {  	[sflag:s17] =	ssyncadd.s32 $0xFFFFFF38  }
0x85: {  	[tilespmem:s21], [sflag:$0x2] =	stream.indirect.gather [hbm4b:s2+s18], $0x80, s20, s18, $0xb8;
	[tilespmem:$0x19400] =	vst v63  }
0x86: {  	_ =	swait.ge [sflag:s0], $0x6400  }
0x87: {  	s12 =	rddreg [dreg:$0x5];
	[sflag:s0] =	ssyncset.done $0x0  }
0x88: {  	[sflag:s0] =	ssyncadd.s32 $0xFFFF9C00;
	s12 =	sadd.s32 s11, s12  }
0x89: {  	[hbm4b:s12+s3] =	stream.linear.scatter [tilespmem:s25], [sflag:$0x8], $0x6400, $0x38;
	[tilespmem:$0x19400] =	vst v63  }
0x8a: {  	_ =	swait.ge [sflag:s1], $0x6400  }
0x8b: {  	[sflag:s1] =	ssyncset.done $0x0  }
0x8c: {  	[sflag:s1] =	ssyncadd.s32 $0xFFFF9C00  }
0x8d: {  	[tilespmem:s22], [sflag:$0x9] =	stream.linear.gather [hbm4b:s10+s3], $0xC8, $0x38;
	[tilespmem:$0x19400] =	vst v63  }
0x8e: {  	_ =	swait.ge [sflag:s17], $0xC8  }
0x8f: {  	[sflag:s17] =	ssyncset.done $0x0  }
0x90: {  	[sflag:s17] =	ssyncadd.s32 $0xFFFFFF38  }
0x91: {  	[tilespmem:s23], [sflag:$0x3] =	stream.indirect.gather [hbm4b:s2+s18], $0x80, s22, s18, $0xb8;
	[tilespmem:$0x19400] =	vst v63  }
0x92: {  	_ =	swait.ge [sflag:s26], $0x6400  }
0x93: {  	s12 =	rddreg [dreg:$0x4]  }
0x94: {  	[sflag:s26] =	ssyncset.done $0x0;
	s11 =	sadd.s32 s11, s12  }
0x95: {  	[sflag:s26] =	ssyncadd.s32 $0xFFFF9C00;
	s12 =	sadd.s32 $0x3200, s11  }
0x96: {  	[hbm4b:s12+s3] =	stream.linear.scatter [tilespmem:s19], [sflag:$0x5], $0x6400, $0x38;
	[tilespmem:$0x19400] =	vst v63  }
0x97: {  	_ =	swait.ge [sflag:s5], $0x6400  }
0x98: {  	[sflag:s5] =	ssyncset.done $0x0  }
0x99: {  	[sflag:s5] =	ssyncadd.s32 $0xFFFF9C00  }
0x9a: {  	[tilespmem:s24], [sflag:$0x9] =	stream.linear.gather [hbm4b:s9+s3], $0xC8, $0x38;
	[tilespmem:$0x19400] =	vst v63  }
0x9b: {  	_ =	swait.ge [sflag:s17], $0xC8  }
0x9c: {  	p0 =	sne.s32 s7, $0x5DC00;
	[sflag:s17] =	ssyncset.done $0x0  }
.Ltmp0:
0x9d: {  	[sflag:s17] =	ssyncadd.s32 $0xFFFFFF38;
	(pc) =	sbr.rel @p0 .LBB2_2-.Ltmp0, $4  }
0x9e: {  	[tilespmem:s25], [sflag:$0x4] =	stream.indirect.gather [hbm4b:s2+s18], $0x80, s24, s18, $0xb8;
	[tilespmem:$0x19400] =	vst v63  }
0x9f: {  	s7 =	sadd.s32 $0x3200, s7;
	s4 =	sadd.s32 $0x64, s4;
	_ =	swait.ge [sflag:s28], $0x6400  }
0xa0: {  	s8 =	sadd.s32 $0x64, s8;
	s10 =	sadd.s32 $0x64, s10;
	[sflag:s28] =	ssyncset.done $0x0  }
0xa1: {  	s11 =	sadd.s32 $0x3E80, s11;
	s9 =	sadd.s32 $0x64, s9;
	[sflag:s28] =	ssyncadd.s32 $0xFFFF9C00  }
0xa2: {  	[hbm4b:s11+s3] =	stream.linear.scatter [tilespmem:s21], [sflag:$0x6], $0x6400, $0x38;
	[tilespmem:$0x19400] =	vst v63  }
0xa3: {  	_ =	swait.ge [sflag:s30], $0x6400  }
0xa4: {  	[sflag:s30] =	ssyncset.done $0x0  }
0xa5: {  	s4 =	rddreg [dreg:$0xd];
	[sflag:s30] =	ssyncadd.s32 $0xFFFF9C00  }
0xa6: {  	[hbm4b:s4+s3] =	stream.linear.scatter [tilespmem:s23], [sflag:$0x7], $0x6400, $0x38;
	[tilespmem:$0x19400] =	vst v63  }
0xa7: {  	_ =	swait.ge [sflag:s0], $0x6400  }
0xa8: {  	[sflag:s0] =	ssyncset.done $0x0  }
0xa9: {  	s11 =	rddreg [dreg:$0xe];
	[sflag:s0] =	ssyncadd.s32 $0xFFFF9C00  }
0xaa: {  	[hbm4b:s11+s3] =	stream.linear.scatter [tilespmem:s25], [sflag:$0x8], $0x6400, $0x38;
	[tilespmem:$0x19400] =	vst v63  }
0xab: {  	_ =	swait.ge [sflag:s29], $0x6400  }
0xac: {  	[sflag:s29] =	ssyncset.done $0x0  }
0xad: {  	[sflag:s29] =	ssyncadd.s32 $0xFFFF9C00  }
0xae: {  	_ =	swait.ge [sflag:s31], $0x6400  }
0xaf: {  	[sflag:s31] =	ssyncset.done $0x0  }
0xb0: {  	[sflag:s31] =	ssyncadd.s32 $0xFFFF9C00  }
0xb1: {  	_ =	swait.ge [sflag:s1], $0x6400  }
0xb2: {  	[sflag:s1] =	ssyncset.done $0x0  }
0xb3: {  	[sflag:s1] =	ssyncadd.s32 $0xFFFF9C00  }
0xb4: {  	_ =	swait.ge [sflag:s5], $0x6400  }
0xb5: {  	s6 =	sadd.s32 $0x1, s6;
	s12 =	rddreg [dreg:$0xf]  }
0xb6: {  	p0 =	sne.s32 s6, s12  }
.Ltmp1:
0xb7: {  	_ = 	snop;
	(pc) =	sbr.rel @p0 .LBB2_1-.Ltmp1, $3  }
0xb8: {  	_ =	sdelay $0x1  }
0xb9: {  	[sflag:s5] =	ssyncset.done $0x0  }
0xba: {  	[sflag:s5] =	ssyncadd.s32 $0xFFFF9C00  }
0xbb: {  	_ =	sfence.sel $0x180000  }
0xbc: {  	[bflag:$0x0] =	sbarrier.arrive $0xFFFF  }
0xbd: {  	_ =	strace $0x90000047  }
0xbe: {  	s0 =	stileid.u32;
	[bflag:$0x2] =	sbarrier.arrive $0xFFFF  }
0xbf: {  	p0 =	sne.s32 s0, $0x0;
	s0 =	rddreg [dreg:$0x3]  }
0xc0: {  	s0 =	sadd.s32 @!p0 $0x100000, s0  }
0xc1: {  	[sflag:s0] =	ssyncadd.tile.s32 @!p0 $0x1;
	_ =	shalt  }
.Lfunc_end2:
_tile_overlayer_lowered:
.L_overlay_start_2:
0xc2: {  	(tag) =	ssettag $0x2  }
0xc3: {  	s0 =	rddreg [dreg:$0x0];
	s2 =	stileid.u32  }
0xc4: {  	s1 =	rddreg [dreg:$0x1];
	p0 =	sne.s32 s2, $0x0  }
0xc5: {  	s3 =	rddreg [dreg:$0x2];
	[bflag:$0x3] =	sbarrier.arrive $0xFFFF;
	s2 =	simm.s32 @!p0 $0x1C09  }
0xc6: {  	[timem:s3], [sflag:s2] =	dma.local @!p0 [hbm:s0], s1  }
0xc7: {  	s0 =	simm.s32 @!p0 $0x9  }
0xc8: {  	_ =	swait.ge @!p0 [sflag:s0], s1  }
0xc9: {  	s1 =	ssub.s32 @!p0 $0x0, s1;
	[sflag:s0] =	ssyncset.done @!p0 $0x0  }
0xca: {  	[sflag:s0] =	ssyncadd.s32 @!p0 s1  }
0xcb: {  	[bflag:$0x3] =	sbarrier.arrive $0xFFFF  }
0xcc: {  	_ =	shalt  }

</sc_bundles>
